<compile_context>
chip_gen: v7x
topology: tpu7x:2x2x1
jax: 0.10.2.dev20260603
libtpu: 0.0.44.dev20260713+nightly
codegen_flags: <defaults>
</compile_context>

<pallas_src>
import jax
import jax.numpy as jnp
from jax import lax
from jax.experimental import pallas as pl
from jax.experimental.pallas import tpu as pltpu
from jax.experimental.pallas import tpu_sc as plsc

_VOCAB = 100000
_MAX_LEN = 2048
_EMBED_DIM = 128
_BATCH = 4
_B = _BATCH * _MAX_LEN
_NC = 2
_NS = 16
_NW = _NC * _NS
_BPW = _B // _NW
_H = _BPW // 2


def _embed_body(seq_hbm, tok_hbm, pos_hbm, out_hbm,
                idx_v, buf0, buf1, sem_ip, sem_p1, sem_g0, sem_g1, sem_s):
    wid = lax.axis_index("s") * _NC + lax.axis_index("c")
    base = wid * _BPW
    b = base // _MAX_LEN
    col = lax.rem(base, _MAX_LEN)

    icopy = pltpu.async_copy(seq_hbm.at[b, pl.ds(col, _BPW)], idx_v, sem_ip)
    p0 = pltpu.async_copy(pos_hbm.at[pl.ds(col, _H)], buf0, sem_ip)
    p1 = pltpu.async_copy(pos_hbm.at[pl.ds(col + _H, _H)], buf1, sem_p1)

    icopy.wait()
    p0.wait()
    g0 = pltpu.async_copy(tok_hbm.at[idx_v.at[pl.ds(0, _H)]], buf0, sem_g0,
                          add=True)
    p1.wait()
    g1 = pltpu.async_copy(tok_hbm.at[idx_v.at[pl.ds(_H, _H)]], buf1, sem_g1,
                          add=True)
    g0.wait()
    s0 = pltpu.async_copy(buf0, out_hbm.at[b, pl.ds(col, _H)], sem_s)
    g1.wait()
    s1 = pltpu.async_copy(buf1, out_hbm.at[b, pl.ds(col + _H, _H)], sem_s)
    s0.wait()
    s1.wait()


@jax.jit
def _embed(seq, tok_table, pos_table):
    mesh = plsc.VectorSubcoreMesh(core_axis_name="c", subcore_axis_name="s")
    f = pl.kernel(
        _embed_body,
        mesh=mesh,
        out_type=jax.ShapeDtypeStruct((_BATCH, _MAX_LEN, _EMBED_DIM),
                                      jnp.float32),
        scratch_types=[
            pltpu.VMEM((_BPW,), jnp.int32),
            pltpu.VMEM((_H, _EMBED_DIM), jnp.float32),
            pltpu.VMEM((_H, _EMBED_DIM), jnp.float32),
            pltpu.SemaphoreType.DMA,
            pltpu.SemaphoreType.DMA,
            pltpu.SemaphoreType.DMA,
            pltpu.SemaphoreType.DMA,
            pltpu.SemaphoreType.DMA,
        ],
    )
    return f(seq, tok_table, pos_table)


def kernel(seq, tok_table, pos_table):
    return _embed(seq.astype(jnp.int32), tok_table, pos_table)

# --- scband reference (transcript-rebuilt; emitter-appended) ---
"""Pipeline reference for scband-distil-bertembedding-12292196401739 (READ-ONLY COPY).

The authoritative reference and input builder live on the scoring server;
editing this copy changes nothing except your own understanding.
"""

import jax, jax.numpy as jnp
import numpy as np

VOCAB = 100000
MAX_LEN = 2048
EMBED_DIM = 128
BATCH = 4


def setup_inputs(seed: int = 0) -> dict:
    key = jax.random.key(seed)
    k_seq, k_tok, k_pos = jax.random.split(key, 3)
    seq = jax.random.randint(k_seq, (BATCH, MAX_LEN), 0, VOCAB, dtype=jnp.int64 if jax.config.jax_enable_x64 else jnp.int32)
    tok_table = jax.random.normal(k_tok, (VOCAB, EMBED_DIM), dtype=jnp.float32)
    pos_table = jax.random.normal(k_pos, (MAX_LEN, EMBED_DIM), dtype=jnp.float32)
    return {"seq": seq, "tok_table": tok_table, "pos_table": pos_table}


def reference(seq, tok_table, pos_table):
    # tok_embed(seq): gather rows from token table -> [B, L, D]
    tok = jnp.take(tok_table, seq, axis=0)
    # pos_embed(pos_inp): full positional table gather via arange -> [L, D]
    pos_inp = jnp.arange(MAX_LEN)
    pos = jnp.take(pos_table, pos_inp, axis=0)
    # broadcast add [B, L, D] + [L, D]; dropout is identity in eval mode
    embed_val = tok + pos[None, :, :]
    return embed_val

if __name__ == "__main__":
    import jax
    _d = setup_inputs()
    print(jax.jit(kernel)(*tuple(_d.values())))

</pallas_src>

<mosaic_0001>
#map = affine_map<(d0, d1) -> (0, 0)>
#map1 = affine_map<(d0, d1) -> (0, 0, 0)>
module attributes {stable_mosaic.version = 14 : i64} {
  func.func @_embed_body(%arg0: i32, %arg1: i32, %arg2: memref<4x2048xi32, #tpu.memory_space<hbm>>, %arg3: memref<100000x128xf32, #tpu.memory_space<hbm>>, %arg4: memref<2048x128xf32, #tpu.memory_space<hbm>>, %arg5: memref<4x2048x128xf32, #tpu.memory_space<hbm>>, %arg6: memref<256xi32, #tpu.memory_space<vmem>>, %arg7: memref<128x128xf32, #tpu.memory_space<vmem>>, %arg8: memref<128x128xf32, #tpu.memory_space<vmem>>, %arg9: memref<!tpu.dma_semaphore, #tpu.memory_space<semaphore_mem>>, %arg10: memref<!tpu.dma_semaphore, #tpu.memory_space<semaphore_mem>>, %arg11: memref<!tpu.dma_semaphore, #tpu.memory_space<semaphore_mem>>, %arg12: memref<!tpu.dma_semaphore, #tpu.memory_space<semaphore_mem>>, %arg13: memref<!tpu.dma_semaphore, #tpu.memory_space<semaphore_mem>>) attributes {dimension_semantics = [#tpu.dimension_semantics<core_parallel>, #tpu.dimension_semantics<subcore_parallel>], iteration_bounds = array<i64: 2, 16>, scalar_prefetch = 0 : i64, scratch_operands = 8 : i64, tpu.core_type = #tpu.core_type<sc_vector_subcore>, window_params = [{transform_indices = #map}, {transform_indices = #map}, {transform_indices = #map}, {transform_indices = #map1}]} {
    %mul3A = arith.constant 2 : i32
    %mul3A_0 = arith.muli %arg1, %mul3A : i32
    %add3A = arith.addi %mul3A_0, %arg0 : i32
    %mul3A_1 = arith.constant 256 : i32
    %mul3A_2 = arith.muli %add3A, %mul3A_1 : i32
    %jit3A = arith.constant 2048 : i32
    %div3A = arith.divsi %mul3A_2, %jit3A : i32
    %sign3A = arith.constant 0 : i32
    %sign3A_3 = arith.cmpi sgt, %mul3A_2, %sign3A : i32
    %sign3A_4 = arith.extui %sign3A_3 : i1 to i32
    %sign3A_5 = arith.constant 0 : i32
    %sign3A_6 = arith.cmpi slt, %mul3A_2, %sign3A_5 : i32
    %sign3A_7 = arith.extui %sign3A_6 : i1 to i32
    %sign3A_8 = arith.subi %sign3A_4, %sign3A_7 : i32
    %sign3A_9 = arith.constant 0 : i32
    %sign3A_10 = arith.cmpi sgt, %jit3A, %sign3A_9 : i32
    %sign3A_11 = arith.extui %sign3A_10 : i1 to i32
    %sign3A_12 = arith.constant 0 : i32
    %sign3A_13 = arith.cmpi slt, %jit3A, %sign3A_12 : i32
    %sign3A_14 = arith.extui %sign3A_13 : i1 to i32
    %sign3A_15 = arith.subi %sign3A_11, %sign3A_14 : i32
    %ne3A = arith.cmpi ne, %sign3A_8, %sign3A_15 : i32
    %rem3A = arith.remsi %mul3A_2, %jit3A : i32
    %ne3A_16 = arith.constant 0 : i32
    %ne3A_17 = arith.cmpi ne, %rem3A, %ne3A_16 : i32
    %and3A = arith.andi %ne3A, %ne3A_17 : i1
    %sub3A = arith.constant 1 : i32
    %sub3A_18 = arith.subi %div3A, %sub3A : i32
    %select_n3A = arith.select %and3A, %sub3A_18, %div3A : i32
    %rem3A_19 = arith.constant 2048 : i32
    %rem3A_20 = arith.remsi %mul3A_2, %rem3A_19 : i32
    %dma_start3A = tpu.memref_slice %arg2[%select_n3A, %rem3A_20] : memref<4x2048xi32, #tpu.memory_space<hbm>> -> memref<1x256xi32, #tpu.memory_space<hbm>>
    %dma_start3A_21 = tpu.memref_squeeze %dma_start3A : memref<1x256xi32, #tpu.memory_space<hbm>> -> memref<256xi32, #tpu.memory_space<hbm>>
    %dma_start3A_22 = tpu.memref_slice %arg2[%select_n3A, %rem3A_20] : memref<4x2048xi32, #tpu.memory_space<hbm>> -> memref<1x256xi32, #tpu.memory_space<hbm>>
    %dma_start3A_23 = tpu.memref_squeeze %dma_start3A_22 : memref<1x256xi32, #tpu.memory_space<hbm>> -> memref<256xi32, #tpu.memory_space<hbm>>
    tpu.enqueue_dma source(%dma_start3A_23 : memref<256xi32, #tpu.memory_space<hbm>>) target(%arg6 : memref<256xi32, #tpu.memory_space<vmem>>) target_semaphore(%arg9 : memref<!tpu.dma_semaphore, #tpu.memory_space<semaphore_mem>>)
    %dma_start3A_24 = arith.constant 0 : i32
    %dma_start3A_25 = tpu.memref_slice %arg4[%rem3A_20, %dma_start3A_24] : memref<2048x128xf32, #tpu.memory_space<hbm>> -> memref<128x128xf32, #tpu.memory_space<hbm>>
    %dma_start3A_26 = arith.constant 0 : i32
    %dma_start3A_27 = tpu.memref_slice %arg4[%rem3A_20, %dma_start3A_26] : memref<2048x128xf32, #tpu.memory_space<hbm>> -> memref<128x128xf32, #tpu.memory_space<hbm>>
    tpu.enqueue_dma source(%dma_start3A_27 : memref<128x128xf32, #tpu.memory_space<hbm>>) target(%arg7 : memref<128x128xf32, #tpu.memory_space<vmem>>) target_semaphore(%arg9 : memref<!tpu.dma_semaphore, #tpu.memory_space<semaphore_mem>>)
    %add3A_28 = arith.constant 128 : i32
    %add3A_29 = arith.addi %rem3A_20, %add3A_28 : i32
    %dma_start3A_30 = arith.constant 0 : i32
    %dma_start3A_31 = tpu.memref_slice %arg4[%add3A_29, %dma_start3A_30] : memref<2048x128xf32, #tpu.memory_space<hbm>> -> memref<128x128xf32, #tpu.memory_space<hbm>>
    %dma_start3A_32 = arith.constant 0 : i32
    %dma_start3A_33 = tpu.memref_slice %arg4[%add3A_29, %dma_start3A_32] : memref<2048x128xf32, #tpu.memory_space<hbm>> -> memref<128x128xf32, #tpu.memory_space<hbm>>
    tpu.enqueue_dma source(%dma_start3A_33 : memref<128x128xf32, #tpu.memory_space<hbm>>) target(%arg8 : memref<128x128xf32, #tpu.memory_space<vmem>>) target_semaphore(%arg10 : memref<!tpu.dma_semaphore, #tpu.memory_space<semaphore_mem>>)
    %dma_wait3A = tpu.memref_slice %arg2[%select_n3A, %rem3A_20] : memref<4x2048xi32, #tpu.memory_space<hbm>> -> memref<1x256xi32, #tpu.memory_space<hbm>>
    %dma_wait3A_34 = tpu.memref_squeeze %dma_wait3A : memref<1x256xi32, #tpu.memory_space<hbm>> -> memref<256xi32, #tpu.memory_space<hbm>>
    %dma_wait3A_35 = tpu.memref_slice %arg2[%select_n3A, %rem3A_20] : memref<4x2048xi32, #tpu.memory_space<hbm>> -> memref<1x256xi32, #tpu.memory_space<hbm>>
    %dma_wait3A_36 = tpu.memref_squeeze %dma_wait3A_35 : memref<1x256xi32, #tpu.memory_space<hbm>> -> memref<256xi32, #tpu.memory_space<hbm>>
    tpu.wait_dma2 semaphore(%arg9 : memref<!tpu.dma_semaphore, #tpu.memory_space<semaphore_mem>>) src(%dma_wait3A_36 : memref<256xi32, #tpu.memory_space<hbm>>) dst(%arg6 : memref<256xi32, #tpu.memory_space<vmem>>)
    %dma_wait3A_37 = arith.constant 0 : i32
    %dma_wait3A_38 = tpu.memref_slice %arg4[%rem3A_20, %dma_wait3A_37] : memref<2048x128xf32, #tpu.memory_space<hbm>> -> memref<128x128xf32, #tpu.memory_space<hbm>>
    %dma_wait3A_39 = arith.constant 0 : i32
    %dma_wait3A_40 = tpu.memref_slice %arg4[%rem3A_20, %dma_wait3A_39] : memref<2048x128xf32, #tpu.memory_space<hbm>> -> memref<128x128xf32, #tpu.memory_space<hbm>>
    tpu.wait_dma2 semaphore(%arg9 : memref<!tpu.dma_semaphore, #tpu.memory_space<semaphore_mem>>) src(%dma_wait3A_40 : memref<128x128xf32, #tpu.memory_space<hbm>>) dst(%arg7 : memref<128x128xf32, #tpu.memory_space<vmem>>)
    %dma_start3A_41 = arith.constant 0 : i32
    %dma_start3A_42 = tpu.memref_slice %arg6[%dma_start3A_41] : memref<256xi32, #tpu.memory_space<vmem>> -> memref<128xi32, #tpu.memory_space<vmem>>
    %dma_start3A_43 = arith.constant 0 : i32
    %dma_start3A_44 = arith.constant 0 : i32
    %dma_start3A_45 = tpu.memref_slice %arg3[%dma_start3A_43, %dma_start3A_44] : memref<100000x128xf32, #tpu.memory_space<hbm>> -> memref<100000x128xf32, #tpu.memory_space<hbm>>
    tpu.enqueue_indirect_dma source(%dma_start3A_45 : memref<100000x128xf32, #tpu.memory_space<hbm>>) target(%arg7 : memref<128x128xf32, #tpu.memory_space<vmem>>) offsets(%dma_start3A_42 : memref<128xi32, #tpu.memory_space<vmem>>) semaphore(%arg11 : memref<!tpu.dma_semaphore, #tpu.memory_space<semaphore_mem>>) {add = true}
    %dma_wait3A_46 = arith.constant 0 : i32
    %dma_wait3A_47 = tpu.memref_slice %arg4[%add3A_29, %dma_wait3A_46] : memref<2048x128xf32, #tpu.memory_space<hbm>> -> memref<128x128xf32, #tpu.memory_space<hbm>>
    %dma_wait3A_48 = arith.constant 0 : i32
    %dma_wait3A_49 = tpu.memref_slice %arg4[%add3A_29, %dma_wait3A_48] : memref<2048x128xf32, #tpu.memory_space<hbm>> -> memref<128x128xf32, #tpu.memory_space<hbm>>
    tpu.wait_dma2 semaphore(%arg10 : memref<!tpu.dma_semaphore, #tpu.memory_space<semaphore_mem>>) src(%dma_wait3A_49 : memref<128x128xf32, #tpu.memory_space<hbm>>) dst(%arg8 : memref<128x128xf32, #tpu.memory_space<vmem>>)
    %dma_start3A_50 = arith.constant 128 : i32
    %dma_start3A_51 = tpu.memref_slice %arg6[%dma_start3A_50] : memref<256xi32, #tpu.memory_space<vmem>> -> memref<128xi32, #tpu.memory_space<vmem>>
    %dma_start3A_52 = arith.constant 0 : i32
    %dma_start3A_53 = arith.constant 0 : i32
    %dma_start3A_54 = tpu.memref_slice %arg3[%dma_start3A_52, %dma_start3A_53] : memref<100000x128xf32, #tpu.memory_space<hbm>> -> memref<100000x128xf32, #tpu.memory_space<hbm>>
    tpu.enqueue_indirect_dma source(%dma_start3A_54 : memref<100000x128xf32, #tpu.memory_space<hbm>>) target(%arg8 : memref<128x128xf32, #tpu.memory_space<vmem>>) offsets(%dma_start3A_51 : memref<128xi32, #tpu.memory_space<vmem>>) semaphore(%arg12 : memref<!tpu.dma_semaphore, #tpu.memory_space<semaphore_mem>>) {add = true}
    %dma_wait3A_55 = arith.constant 0 : i32
    %dma_wait3A_56 = tpu.memref_slice %arg6[%dma_wait3A_55] : memref<256xi32, #tpu.memory_space<vmem>> -> memref<128xi32, #tpu.memory_space<vmem>>
    %dma_wait3A_57 = arith.constant 0 : i32
    %dma_wait3A_58 = arith.constant 0 : i32
    %dma_wait3A_59 = tpu.memref_slice %arg3[%dma_wait3A_57, %dma_wait3A_58] : memref<100000x128xf32, #tpu.memory_space<hbm>> -> memref<100000x128xf32, #tpu.memory_space<hbm>>
    tpu.wait_indirect_dma semaphore(%arg11 : memref<!tpu.dma_semaphore, #tpu.memory_space<semaphore_mem>>) src(%dma_wait3A_59 : memref<100000x128xf32, #tpu.memory_space<hbm>>) dst(%arg7 : memref<128x128xf32, #tpu.memory_space<vmem>>)
    %dma_start3A_60 = arith.constant 0 : i32
    %dma_start3A_61 = tpu.memref_slice %arg5[%select_n3A, %rem3A_20, %dma_start3A_60] : memref<4x2048x128xf32, #tpu.memory_space<hbm>> -> memref<1x128x128xf32, #tpu.memory_space<hbm>>
    %dma_start3A_62 = tpu.memref_squeeze %dma_start3A_61 : memref<1x128x128xf32, #tpu.memory_space<hbm>> -> memref<128x128xf32, #tpu.memory_space<hbm>>
    %dma_start3A_63 = arith.constant 0 : i32
    %dma_start3A_64 = tpu.memref_slice %arg5[%select_n3A, %rem3A_20, %dma_start3A_63] : memref<4x2048x128xf32, #tpu.memory_space<hbm>> -> memref<1x128x128xf32, #tpu.memory_space<hbm>>
    %dma_start3A_65 = tpu.memref_squeeze %dma_start3A_64 : memref<1x128x128xf32, #tpu.memory_space<hbm>> -> memref<128x128xf32, #tpu.memory_space<hbm>>
    tpu.enqueue_dma source(%arg7 : memref<128x128xf32, #tpu.memory_space<vmem>>) target(%dma_start3A_65 : memref<128x128xf32, #tpu.memory_space<hbm>>) target_semaphore(%arg13 : memref<!tpu.dma_semaphore, #tpu.memory_space<semaphore_mem>>)
    %dma_wait3A_66 = arith.constant 128 : i32
    %dma_wait3A_67 = tpu.memref_slice %arg6[%dma_wait3A_66] : memref<256xi32, #tpu.memory_space<vmem>> -> memref<128xi32, #tpu.memory_space<vmem>>
    %dma_wait3A_68 = arith.constant 0 : i32
    %dma_wait3A_69 = arith.constant 0 : i32
    %dma_wait3A_70 = tpu.memref_slice %arg3[%dma_wait3A_68, %dma_wait3A_69] : memref<100000x128xf32, #tpu.memory_space<hbm>> -> memref<100000x128xf32, #tpu.memory_space<hbm>>
    tpu.wait_indirect_dma semaphore(%arg12 : memref<!tpu.dma_semaphore, #tpu.memory_space<semaphore_mem>>) src(%dma_wait3A_70 : memref<100000x128xf32, #tpu.memory_space<hbm>>) dst(%arg8 : memref<128x128xf32, #tpu.memory_space<vmem>>)
    %add3A_71 = arith.constant 128 : i32
    %add3A_72 = arith.addi %rem3A_20, %add3A_71 : i32
    %dma_start3A_73 = arith.constant 0 : i32
    %dma_start3A_74 = tpu.memref_slice %arg5[%select_n3A, %add3A_72, %dma_start3A_73] : memref<4x2048x128xf32, #tpu.memory_space<hbm>> -> memref<1x128x128xf32, #tpu.memory_space<hbm>>
    %dma_start3A_75 = tpu.memref_squeeze %dma_start3A_74 : memref<1x128x128xf32, #tpu.memory_space<hbm>> -> memref<128x128xf32, #tpu.memory_space<hbm>>
    %dma_start3A_76 = arith.constant 0 : i32
    %dma_start3A_77 = tpu.memref_slice %arg5[%select_n3A, %add3A_72, %dma_start3A_76] : memref<4x2048x128xf32, #tpu.memory_space<hbm>> -> memref<1x128x128xf32, #tpu.memory_space<hbm>>
    %dma_start3A_78 = tpu.memref_squeeze %dma_start3A_77 : memref<1x128x128xf32, #tpu.memory_space<hbm>> -> memref<128x128xf32, #tpu.memory_space<hbm>>
    tpu.enqueue_dma source(%arg8 : memref<128x128xf32, #tpu.memory_space<vmem>>) target(%dma_start3A_78 : memref<128x128xf32, #tpu.memory_space<hbm>>) target_semaphore(%arg13 : memref<!tpu.dma_semaphore, #tpu.memory_space<semaphore_mem>>)
    %dma_wait3A_79 = arith.constant 0 : i32
    %dma_wait3A_80 = tpu.memref_slice %arg5[%select_n3A, %rem3A_20, %dma_wait3A_79] : memref<4x2048x128xf32, #tpu.memory_space<hbm>> -> memref<1x128x128xf32, #tpu.memory_space<hbm>>
    %dma_wait3A_81 = tpu.memref_squeeze %dma_wait3A_80 : memref<1x128x128xf32, #tpu.memory_space<hbm>> -> memref<128x128xf32, #tpu.memory_space<hbm>>
    %dma_wait3A_82 = arith.constant 0 : i32
    %dma_wait3A_83 = tpu.memref_slice %arg5[%select_n3A, %rem3A_20, %dma_wait3A_82] : memref<4x2048x128xf32, #tpu.memory_space<hbm>> -> memref<1x128x128xf32, #tpu.memory_space<hbm>>
    %dma_wait3A_84 = tpu.memref_squeeze %dma_wait3A_83 : memref<1x128x128xf32, #tpu.memory_space<hbm>> -> memref<128x128xf32, #tpu.memory_space<hbm>>
    tpu.wait_dma2 semaphore(%arg13 : memref<!tpu.dma_semaphore, #tpu.memory_space<semaphore_mem>>) src(%arg7 : memref<128x128xf32, #tpu.memory_space<vmem>>) dst(%dma_wait3A_84 : memref<128x128xf32, #tpu.memory_space<hbm>>)
    %dma_wait3A_85 = arith.constant 0 : i32
    %dma_wait3A_86 = tpu.memref_slice %arg5[%select_n3A, %add3A_72, %dma_wait3A_85] : memref<4x2048x128xf32, #tpu.memory_space<hbm>> -> memref<1x128x128xf32, #tpu.memory_space<hbm>>
    %dma_wait3A_87 = tpu.memref_squeeze %dma_wait3A_86 : memref<1x128x128xf32, #tpu.memory_space<hbm>> -> memref<128x128xf32, #tpu.memory_space<hbm>>
    %dma_wait3A_88 = arith.constant 0 : i32
    %dma_wait3A_89 = tpu.memref_slice %arg5[%select_n3A, %add3A_72, %dma_wait3A_88] : memref<4x2048x128xf32, #tpu.memory_space<hbm>> -> memref<1x128x128xf32, #tpu.memory_space<hbm>>
    %dma_wait3A_90 = tpu.memref_squeeze %dma_wait3A_89 : memref<1x128x128xf32, #tpu.memory_space<hbm>> -> memref<128x128xf32, #tpu.memory_space<hbm>>
    tpu.wait_dma2 semaphore(%arg13 : memref<!tpu.dma_semaphore, #tpu.memory_space<semaphore_mem>>) src(%arg8 : memref<128x128xf32, #tpu.memory_space<vmem>>) dst(%dma_wait3A_90 : memref<128x128xf32, #tpu.memory_space<hbm>>)
    return
  }
}

</mosaic_0001>

<sc_bundles>
// kernel: _embed.3.cloned.1.call-start
scs
__scs_entry_jumppad:
0x0: {  	(pc) =	sbr.rel $0x88, $3  }
0x1: {  	(tag) =	ssettag $0x0;
	lr =	simm.s32 $0x1  }
0x2: {  	[smem:$0x3F9E] =	sst lr;
	_ =	strace $0xD0000000  }
0x3: {  	_ = 	snop  }
0x4: {  	_ = 	snop  }
0x5: {  	_ = 	snop  }
0x6: {  	_ = 	snop  }
0x7: {  	_ = 	snop  }
__scs_overlays_trampoline_lowered:
0x8: {  	[smem:$0x3FAD] =	sst s0  }
0x9: {  	[smem:$0x3FAE] =	sst s1  }
0xa: {  	[smem:$0x3FAF] =	sst s2  }
0xb: {  	[smem:$0x3FB0] =	sst s3  }
0xc: {  	[smem:$0x3FB1] =	sst s4  }
0xd: {  	[smem:$0x3FB2] =	sst s5  }
0xe: {  	[smem:$0x3FB3] =	sst s6  }
0xf: {  	[smem:$0x3FB4] =	sst s7  }
0x10: {  	[smem:$0x3FB5] =	sst s8  }
0x11: {  	[smem:$0x3FB6] =	sst s9;
	s0 =	simm.s32 @!p0 $0x0  }
0x12: {  	s1 =	sld [smem:$0x3F9C];
	s0 =	simm.s32 @p0 $0x1  }
0x13: {  	[smem:$0x3FB7] =	sst s0;
	s0 =	simm.s32 @!p1 $0x0  }
0x14: {  	s2 =	sld [smem:$0x3F9B];
	s0 =	simm.s32 @p1 $0x1  }
0x15: {  	[smem:$0x3FB8] =	sst s0;
	s0 =	simm.s32 @!p2 $0x0  }
0x16: {  	s3 =	sld [smem:$0x3FDB];
	s0 =	simm.s32 @p2 $0x1  }
0x17: {  	s4 =	simm.s32 $0x1BF5;
	[smem:$0x3FBA] =	sst s0  }
0x18: {  	s0 =	sld [smem:$0x3F9D];
	_ =	swait.ge [sflag:s4], $0x0  }
0x19: {  	s7 =	sld [smem:$0x3F9E]  }
0x1a: {  	s8 =	sadd.s32 $0xFFFFE003, lr  }
0x1b: {  	s9 =	sadd.s32 $0xFFFFFEF7, lr;
	s5 =	simm.s32 $0xFFFFFFFF;
	p2 =	slt.u32 s8, $0xFFFFF086  }
0x1c: {  	p1 =	slt.u32 s9, $0xF7A;
	s5 =	simm.s32 @!p2 $0x0  }
0x1d: {  	s5 =	simm.s32 @p1 $0x1;
	p0 =	seq.s32 s7, s2  }
0x1e: {  	s7 =	smul.u32 @!p0 $0xF7A, s2;
	p2 =	seq.s32 @!p0 s5, $0x0  }
0x1f: {  	s9 =	smul.u32 $0xF7A, s1;
	s8 =	simm.s32 @!p0 $0x1BF5;
	p2 =	por !p2, p0  }
0x20: {  	[sflag:s8] =	ssyncset.s32 @!p0 $0xFFFFF086;
	s6 =	sadd.s32 @!p0 s3, s7;
	s7 =	simm.s32 @!p0 $0x108  }
0x21: {  	s3 =	sadd.s32 s3, s9;
	s6 =	sadd.s32 @!p0 $0x88, s6;
	s7 =	simm.s32 @p2 $0x1082  }
0x22: {  	[simem:s7], [sflag:s8] =	dma.local @!p0 [hbm:s6], $0xF7A  }
0x23: {  	s9 =	sor.u32 $0xD0000000, s2;
	s6 =	simm.s32 $0x108;
	_ =	swait.ge @!p0 [sflag:s8], $0x0  }
0x24: {  	s3 =	sadd.s32 $0x88, s3;
	s6 =	simm.s32 @!p1 $0x1082;
	[sflag:s4] =	ssyncset.s32 $0xFFFFF086  }
0x25: {  	[simem:s6], [sflag:s4] =	dma.local [hbm:s3], $0xF7A  }
0x26: {  	[smem:$0x3F9E] =	sst s1;
	(tag) =	ssettag s2;
	_ =	strace s9  }
0x27: {  	s1 =	sld [smem:$0x3FAE]  }
0x28: {  	s2 =	sld [smem:$0x3FAF]  }
0x29: {  	s4 =	sld [smem:$0x3FB1]  }
0x2a: {  	p0 =	seq.s32 s5, $0x0;
	s5 =	sld [smem:$0x3FB2]  }
0x2b: {  	s6 =	sld [smem:$0x3FB3]  }
0x2c: {  	s7 =	sld [smem:$0x3FB4]  }
0x2d: {  	s3 =	simm.s32 $0x108;
	s8 =	sld [smem:$0x3FB5]  }
0x2e: {  	s3 =	simm.s32 @!p0 $0x1082;
	s9 =	sld [smem:$0x3FB6]  }
0x2f: {  	lr =	sadd.s32 s0, s3;
	s0 =	sld [smem:$0x3FAD]  }
0x30: {  	s3 =	sld [smem:$0x3FB0]  }
0x31: {  	[smem:$0x3FB9] =	sst s10  }
0x32: {  	s10 =	sld [smem:$0x3FB7];
	_ =	sdelay $0x3  }
0x33: {  	p0 =	seq.s32 s10, $0x1;
	s10 =	sld [smem:$0x3FB9];
	_ =	sdelay $0x3  }
0x34: {  	[smem:$0x3FB9] =	sst s10  }
0x35: {  	s10 =	sld [smem:$0x3FB8];
	_ =	sdelay $0x3  }
0x36: {  	p1 =	seq.s32 s10, $0x1;
	s10 =	sld [smem:$0x3FB9];
	_ =	sdelay $0x3  }
0x37: {  	[smem:$0x3FB9] =	sst s10  }
0x38: {  	s10 =	sld [smem:$0x3FBA]  }
0x39: {  	_ = 	snop;
	(pc) =	sbr.ind lr, $3  }
0x3a: {  	_ = 	snop  }
0x3b: {  	_ = 	snop  }
0x3c: {  	p2 =	seq.s32 s10, $0x1;
	s10 =	sld [smem:$0x3FB9]  }
0x3d: {  	_ =	shalt  }
0x3e: {  	_ =	shalt  }
0x3f: {  	_ =	shalt  }
0x40: {  	_ =	shalt  }
0x41: {  	_ =	shalt  }
0x42: {  	_ =	shalt  }
0x43: {  	_ =	shalt  }
0x44: {  	_ =	shalt  }
0x45: {  	_ =	shalt  }
0x46: {  	_ =	shalt  }
0x47: {  	_ =	shalt  }
0x48: {  	_ =	shalt  }
0x49: {  	_ =	shalt  }
0x4a: {  	_ =	shalt  }
0x4b: {  	_ =	shalt  }
0x4c: {  	_ =	shalt  }
0x4d: {  	_ =	shalt  }
0x4e: {  	_ =	shalt  }
0x4f: {  	_ =	shalt  }
0x50: {  	_ =	shalt  }
0x51: {  	_ =	shalt  }
0x52: {  	_ =	shalt  }
0x53: {  	_ =	shalt  }
0x54: {  	_ =	shalt  }
0x55: {  	_ =	shalt  }
0x56: {  	_ =	shalt  }
0x57: {  	_ =	shalt  }
0x58: {  	_ =	shalt  }
0x59: {  	_ =	shalt  }
0x5a: {  	_ =	shalt  }
0x5b: {  	_ =	shalt  }
0x5c: {  	_ =	shalt  }
0x5d: {  	_ =	shalt  }
0x5e: {  	_ =	shalt  }
0x5f: {  	_ =	shalt  }
0x60: {  	_ =	shalt  }
0x61: {  	_ =	shalt  }
0x62: {  	_ =	shalt  }
0x63: {  	_ =	shalt  }
0x64: {  	_ =	shalt  }
0x65: {  	_ =	shalt  }
0x66: {  	_ =	shalt  }
0x67: {  	_ =	shalt  }
0x68: {  	_ =	shalt  }
0x69: {  	_ =	shalt  }
0x6a: {  	_ =	shalt  }
0x6b: {  	_ =	shalt  }
0x6c: {  	_ =	shalt  }
0x6d: {  	_ =	shalt  }
0x6e: {  	_ =	shalt  }
0x6f: {  	_ =	shalt  }
0x70: {  	_ =	shalt  }
0x71: {  	_ =	shalt  }
0x72: {  	_ =	shalt  }
0x73: {  	_ =	shalt  }
0x74: {  	_ =	shalt  }
0x75: {  	_ =	shalt  }
0x76: {  	_ =	shalt  }
0x77: {  	_ =	shalt  }
0x78: {  	_ =	shalt  }
0x79: {  	_ =	shalt  }
0x7a: {  	_ =	shalt  }
0x7b: {  	_ =	shalt  }
0x7c: {  	_ =	shalt  }
0x7d: {  	_ =	shalt  }
0x7e: {  	_ =	shalt  }
0x7f: {  	_ =	shalt  }
0x80: {  	_ =	shalt  }
0x81: {  	_ =	shalt  }
0x82: {  	_ =	shalt  }
0x83: {  	_ =	shalt  }
0x84: {  	_ =	shalt  }
0x85: {  	_ =	shalt  }
0x86: {  	_ =	shalt  }
0x87: {  	_ =	shalt  }
.Lfunc_end0:
.L_simem_size_0:
called_computation_lowered:
.L_overlay_start_0:
0x88: {  	s2 =	sld [smem:$0x3FD9]  }
0x89: {  	s3 =	sld [smem:$0x3FFE];
	_ =	sdelay $0x1  }
0x8a: {  	s1 =	srdreg.scid  }
0x8b: {  	s0 =	sand.u32 $0x1, s1  }
0x8c: {  	s18 =	sshll.u32 s0, $0xA;
	s2 =	sadd.s32 s3, s2  }
0x8d: {  	s2 =	sadd.s32 s2, s18  }
0x8e: {  	[smem:$0x3FC5] =	sst s2  }
0x8f: {  	_ = 	snop  }
0x90: {  	s2 =	sld [smem:$0x3FC9]  }
0x91: {  	s19 =	sld [smem:$0x3FC8]  }
0x92: {  	s4 =	sld [smem:$0x3FC7]  }
0x93: {  	s5 =	sld [smem:$0x3FD0];
	(tm) =	ssettm $0x1  }
0x94: {  	s6 =	sld [smem:$0x3FFB];
	_ =	sdelay $0x3  }
0x95: {  	_ =	strace s6  }
0x96: {  	s6 =	sld [smem:$0x3FFC];
	_ =	sdelay $0x3  }
0x97: {  	_ =	strace s6  }
0x98: {  	s6 =	sld [smem:$0x3FFD];
	_ =	sdelay $0x3  }
0x99: {  	_ =	strace s6  }
0x9a: {  	_ =	strace $0x8FFFFFFF  }
0x9b: {  	s20 =	sld [smem:$0x3FDB];
	_ =	sdelay $0x1  }
0x9c: {  	s7 =	simm.s32 $_scs_section_size  }
0x9d: {  	s8 =	simm.s32 $_size__tile_overlayer_lowered;
	s9 =	simm.s32 $_tile_overlayer_lowered  }
0x9e: {  	s23 =	simm.s32 $0x1BFF;
	s22 =	sshll.u32 s9, $0x1;
	s6 =	sadd.s32 s7, s20  }
0x9f: {  	s10 =	simm.s32 $0x0;
	s21 =	sshll.u32 s8, $0x1;
	s8 =	sadd.s32 s22, s6  }
0xa0: {  	[timem:s10], [sflag:s23] =	dma.local [hbm:s8], s21  }
0xa1: {  	_ =	swait.ge [sflag:s23], s21  }
0xa2: {  	s7 =	ssub.s32 $0x0, s21;
	[sflag:s23] =	ssyncset.done $0x0  }
0xa3: {  	[sflag:s23] =	ssyncadd.s32 s7;
	_ =	sdelay $0x1  }
0xa4: {  	s24 =	simm.s32 $0x1B8B  }
0xa5: {  	_ =	swait.ge [sflag:s24], $0x1  }
0xa6: {  	[sflag:s24] =	ssyncset.done $0x0  }
0xa7: {  	s25 =	simm.s32 $0x1B8E;
	[sflag:s24] =	ssyncadd.s32 $0xFFFFFFFF  }
0xa8: {  	s26 =	simm.s32 $execute0_lowered;
	[smem:$0x3FD2] =	sst s25  }
0xa9: {  	s7 =	sshll.u32 s26, $0x1;
	_ =	strace $0x80000046;
	[dreg:$0x1] =	wrdreg $0xFFFFFFFF  }
0xaa: {  	s28 =	simm.s32 $_size_execute0_lowered;
	s6 =	sadd.s32 s6, s7;
	[dreg:$0x0] =	wrdreg $0x0  }
0xab: {  	s7 =	sshll.u32 s28, $0x1;
	[dreg:$0x2] =	wrdreg s6  }
0xac: {  	[dreg:$0x3] =	wrdreg s7  }
0xad: {  	[dreg:$0x4] =	wrdreg $0xC0  }
0xae: {  	_ =	task [dreg:s10], $0x5FFFF  }
0xaf: {  	[dreg:$0x1] =	wrdreg $0xFFFFFFFF  }
0xb0: {  	[dreg:$0x0] =	wrdreg $0x60  }
0xb1: {  	[dreg:$0x2] =	wrdreg s2  }
0xb2: {  	[dreg:$0x3] =	wrdreg s19  }
0xb3: {  	[dreg:$0x4] =	wrdreg s4  }
0xb4: {  	[dreg:$0x5] =	wrdreg s5  }
0xb5: {  	[dreg:$0x6] =	wrdreg $0x9  }
0xb6: {  	_ =	task.clear_ibuf [dreg:s10], $0x7FFFF;
	_ =	strace $0x90000046  }
0xb7: {  	s29 =	simm.s32 $0x9;
	_ =	strace $0x80000048  }
0xb8: {  	_ =	swait.ge [sflag:s29], $0x1  }
0xb9: {  	[sflag:s29] =	ssyncadd.s32 $0xFFFFFFFF  }
0xba: {  	_ =	strace $0x90000048  }
0xbb: {  	_ =	sfence  }
0xbc: {  	s30 =	sld [smem:$0x0];
	_ =	sdelay $0x2  }
0xbd: {  	s31 =	sshll.u32 s1, $0xD;
	s1 =	sshrl.u32 s1, $0x2  }
0xbe: {  	s3 =	sand.u32 $0x4000, s31;
	s1 =	sadd.s32 s1, s30  }
0xbf: {  	s0 =	sor.u32 s3, s0;
	s1 =	sshll.u32 s1, $0x11  }
0xc0: {  	s0 =	sor.u32 s1, s0  }
0xc1: {  	s0 =	sadd.s32 $0x8F2B, s0  }
0xc2: {  	[sflag:s0] =	ssyncadd.remote.s32 $0x1  }
0xc3: {  	_ =	sfence.sel $0xFFFF  }
0xc4: {  	[dreg:$0x0] =	wrdreg $0xFFFFFFFF;
	(pc) =	sbr.abs _section_cstart, $3  }
0xc5: {  	[dreg:$0x1] =	wrdreg $0xFFFFFFFF  }
0xc6: {  	_ =	task.clear_ibuf [dreg:s10], $0x2FFFF;
	_ =	strace $0x9FFFFFFF  }
0xc7: {  	(tm) =	ssettm $0x7FFFFFFF  }
tec
execute0_lowered:
.L_overlay_start_1:
0x0: {  	(tag) =	ssettag $0x1  }
0x1: {  	s4 =	rddreg [dreg:$0x0]  }
0x2: {  	s1 =	rddreg [dreg:$0x1];
	s2 =	srdreg.scid  }
0x3: {  	s0 =	stileid.u32;
	s9 =	rddreg [dreg:$0x2]  }
0x4: {  	s17 =	rddreg [dreg:$0x3];
	s16 =	sand.u32 $0x1, s2;
	s26 =	sshll.u32 s0, $0x9  }
0x5: {  	s2 =	rddreg [dreg:$0x4];
	s3 =	sshll.u32 s16, $0x8;
	s5 =	sand.u32 $0x600, s26  }
0x6: {  	s13 =	sshrl.u32 s0, $0x2;
	s5 =	sor.u32 s3, s5;
	s3 =	simm.s32 $0x0  }
0x7: {  	s7 =	sshll.u32 s13, $0x7;
	s6 =	sshll.u32 s5, $0x2;
	[smem:$0x7FF] =	sst s3  }
0x8: {  	s14 =	sshll.u32 s5, $0x7;
	s28 =	sshll.u32 s5, $0x4;
	s6 =	sor.u32 s7, s6  }
0x9: {  	s5 =	simm.s32 $0x80;
	_ =	strace $0x80000047;
	s6 =	sshrl.u32 s6, $0x3  }
0xa: {  	s18 =	sor.u32 $0x4000, s14;
	s4 =	sadd.s32 s4, s6;
	s6 =	simm.s32 $0x200  }
0xb: {  	[tilespmem:s3], [sflag:$0x1] =	stream.strided.gather [hbm4b:s4+s5], $0x100, s6, s5, $0x38;
	[tilespmem:$0x8100] =	vst v63  }
0xc: {  	s8 =	simm.s32 $0x100;
	s7 =	sadd.s32 s9, s28;
	s10 =	sshrl.u32 s18, $0x3  }
0xd: {  	[tilespmem:s8], [sflag:$0x1] =	stream.linear.gather [hbm4b:s7+s3], $0x4000, $0x38;
	[tilespmem:$0x8100] =	vst v63  }
0xe: {  	s11 =	simm.s32 $0x1;
	s9 =	sadd.s32 s9, s10;
	s10 =	simm.s32 $0x4100  }
0xf: {  	[tilespmem:s10], [sflag:$0x2] =	stream.linear.gather [hbm4b:s9+s3], $0x4000, $0x38;
	[tilespmem:$0x8100] =	vst v63  }
0x10: {  	_ =	swait.ge [sflag:s11], $0x100  }
0x11: {  	[sflag:s11] =	ssyncset.done $0x0  }
0x12: {  	[sflag:s11] =	ssyncadd.s32 $0xFFFFFF00  }
0x13: {  	_ =	swait.ge [sflag:s11], $0x4000  }
0x14: {  	[sflag:s11] =	ssyncset.done $0x0  }
0x15: {  	s12 =	simm.s32 $0x2;
	[sflag:s11] =	ssyncadd.s32 $0xFFFFC000  }
0x16: {  	[tilespmem:s8], [sflag:$0x3] =	stream.indirect.gather.add.f32 [hbm:s1], $0x80, s3, s5, $0xb8;
	[tilespmem:$0x8100] =	vst v63  }
0x17: {  	_ =	swait.ge [sflag:s12], $0x4000  }
0x18: {  	s15 =	simm.s32 $0x4;
	[sflag:s12] =	ssyncset.done $0x0  }
0x19: {  	s19 =	sshll.u32 s13, $0x12;
	s13 =	simm.s32 $0x3;
	[sflag:s12] =	ssyncadd.s32 $0xFFFFC000  }
0x1a: {  	[tilespmem:s10], [sflag:$0x4] =	stream.indirect.gather.add.f32 [hbm:s1], $0x80, s5, s5, $0xb8;
	[tilespmem:$0x8100] =	vst v63  }
0x1b: {  	s29 =	ssub.s32 $0x2, s16;
	s14 =	sor.u32 s19, s14;
	_ =	swait.ge [sflag:s13], $0x4000  }
0x1c: {  	s31 =	sshrl.u32 s29, $0x1;
	s14 =	sshrl.u32 s14, $0x3;
	[sflag:s13] =	ssyncset.done $0x0  }
0x1d: {  	s18 =	sor.u32 s19, s18;
	s14 =	sadd.s32 s17, s14;
	[sflag:s13] =	ssyncadd.s32 $0xFFFFC000  }
0x1e: {  	[hbm4b:s14+s3] =	stream.linear.scatter [tilespmem:s8], [sflag:$0x5], $0x4000, $0x38;
	[tilespmem:$0x8100] =	vst v63  }
0x1f: {  	s30 =	sshrl.u32 s18, $0x3;
	s18 =	ssub.s32 s29, s31;
	_ =	swait.ge [sflag:s15], $0x4000  }
0x20: {  	s16 =	simm.s32 $0x5;
	s18 =	smax.u32 s18, $0x1;
	[sflag:s15] =	ssyncset.done $0x0  }
0x21: {  	s17 =	sadd.s32 s17, s30;
	p0 =	sne.s32 s18, $0x1;
	[sflag:s15] =	ssyncadd.s32 $0xFFFFC000  }
0x22: {  	[hbm4b:s17+s3] =	stream.linear.scatter [tilespmem:s10], [sflag:$0x5], $0x4000, $0x38;
	[tilespmem:$0x8100] =	vst v63  }
.Ltmp0:
0x23: {  	_ =	swait.ge [sflag:s16], $0x4000;
	(pc) =	sbr.rel @!p0 .LBB2_2-.Ltmp0, $4  }
0x24: {  	[sflag:s16] =	ssyncset.done $0x0  }
0x25: {  	[sflag:s16] =	ssyncadd.s32 $0xFFFFC000  }
0x26: {  	_ =	swait.ge [sflag:s16], $0x4000  }
0x27: {  	s18 =	sadd.s32 $0xFFFFFFFF, s18;
	[sflag:s16] =	ssyncset.done $0x0  }
.LBB2_1:
0x28: {  	p0 =	sne.s32 s18, $0x1;
	s18 =	sadd.s32 $0xFFFFFFFF, s18;
	[sflag:s16] =	ssyncadd.s32 $0xFFFFC000  }
0x29: {  	[tilespmem:s3], [sflag:$0x1] =	stream.strided.gather [hbm4b:s4+s5], $0x100, s6, s5, $0x38;
	[tilespmem:$0x8100] =	vst v63  }
0x2a: {  	_ = 	snop  }
0x2b: {  	[tilespmem:s8], [sflag:$0x1] =	stream.linear.gather [hbm4b:s7+s3], $0x4000, $0x38;
	[tilespmem:$0x8100] =	vst v63  }
0x2c: {  	_ = 	snop  }
0x2d: {  	[tilespmem:s10], [sflag:$0x2] =	stream.linear.gather [hbm4b:s9+s3], $0x4000, $0x38;
	[tilespmem:$0x8100] =	vst v63  }
0x2e: {  	_ =	swait.ge [sflag:s11], $0x100  }
0x2f: {  	[sflag:s11] =	ssyncset.done $0x0  }
0x30: {  	[sflag:s11] =	ssyncadd.s32 $0xFFFFFF00  }
0x31: {  	_ =	swait.ge [sflag:s11], $0x4000  }
0x32: {  	[sflag:s11] =	ssyncset.done $0x0  }
0x33: {  	[sflag:s11] =	ssyncadd.s32 $0xFFFFC000  }
0x34: {  	[tilespmem:s8], [sflag:$0x3] =	stream.indirect.gather.add.f32 [hbm:s1], $0x80, s3, s5, $0xb8;
	[tilespmem:$0x8100] =	vst v63  }
0x35: {  	_ =	swait.ge [sflag:s12], $0x4000  }
0x36: {  	[sflag:s12] =	ssyncset.done $0x0  }
0x37: {  	[sflag:s12] =	ssyncadd.s32 $0xFFFFC000  }
0x38: {  	[tilespmem:s10], [sflag:$0x4] =	stream.indirect.gather.add.f32 [hbm:s1], $0x80, s5, s5, $0xb8;
	[tilespmem:$0x8100] =	vst v63  }
0x39: {  	_ =	swait.ge [sflag:s13], $0x4000  }
0x3a: {  	[sflag:s13] =	ssyncset.done $0x0  }
0x3b: {  	[sflag:s13] =	ssyncadd.s32 $0xFFFFC000  }
0x3c: {  	[hbm4b:s14+s3] =	stream.linear.scatter [tilespmem:s8], [sflag:$0x5], $0x4000, $0x38;
	[tilespmem:$0x8100] =	vst v63  }
0x3d: {  	_ =	swait.ge [sflag:s15], $0x4000  }
0x3e: {  	[sflag:s15] =	ssyncset.done $0x0  }
0x3f: {  	[sflag:s15] =	ssyncadd.s32 $0xFFFFC000  }
0x40: {  	[hbm4b:s17+s3] =	stream.linear.scatter [tilespmem:s10], [sflag:$0x5], $0x4000, $0x38;
	[tilespmem:$0x8100] =	vst v63  }
.Ltmp1:
0x41: {  	_ =	swait.ge [sflag:s16], $0x4000;
	(pc) =	sbr.rel @p0 .LBB2_1-.Ltmp1, $4  }
0x42: {  	[sflag:s16] =	ssyncset.done $0x0  }
0x43: {  	[sflag:s16] =	ssyncadd.s32 $0xFFFFC000  }
0x44: {  	_ =	swait.ge [sflag:s16], $0x4000  }
0x45: {  	[sflag:s16] =	ssyncset.done $0x0  }
.LBB2_2:
0x46: {  	[sflag:s16] =	ssyncadd.s32 $0xFFFFC000  }
0x47: {  	_ =	sfence.sel $0x180000  }
0x48: {  	[bflag:$0x0] =	sbarrier.arrive $0xFFFF  }
0x49: {  	p0 =	sne.s32 s0, $0x0;
	_ =	strace $0x90000047  }
0x4a: {  	s0 =	sadd.s32 @!p0 $0x100000, s2;
	[bflag:$0x2] =	sbarrier.arrive $0xFFFF  }
0x4b: {  	[sflag:s0] =	ssyncadd.tile.s32 @!p0 $0x1;
	_ =	shalt  }
.Lfunc_end2:
_tile_overlayer_lowered:
.L_overlay_start_2:
0x4c: {  	(tag) =	ssettag $0x2  }
0x4d: {  	s0 =	rddreg [dreg:$0x0];
	s2 =	stileid.u32  }
0x4e: {  	s1 =	rddreg [dreg:$0x1];
	p0 =	sne.s32 s2, $0x0  }
0x4f: {  	s3 =	rddreg [dreg:$0x2];
	[bflag:$0x3] =	sbarrier.arrive $0xFFFF;
	s2 =	simm.s32 @!p0 $0x1C06  }
0x50: {  	[timem:s3], [sflag:s2] =	dma.local @!p0 [hbm:s0], s1  }
0x51: {  	s0 =	simm.s32 @!p0 $0x6  }
0x52: {  	_ =	swait.ge @!p0 [sflag:s0], s1  }
0x53: {  	s1 =	ssub.s32 @!p0 $0x0, s1;
	[sflag:s0] =	ssyncset.done @!p0 $0x0  }
0x54: {  	[sflag:s0] =	ssyncadd.s32 @!p0 s1  }
0x55: {  	[bflag:$0x3] =	sbarrier.arrive $0xFFFF  }
0x56: {  	_ =	shalt  }

</sc_bundles>
